<compile_context>
chip_gen: v7x
topology: tpu7x:2x2x1
jax: 0.10.2.dev20260603
libtpu: 0.0.44.dev20260713+nightly
codegen_flags: <defaults>
</compile_context>

<pallas_src>
import functools

import jax
import jax.numpy as jnp
from jax import lax
from jax.experimental import pallas as pl
from jax.experimental.pallas import tpu as pltpu
from jax.experimental.pallas import tpu_sc as plsc

N_RBF = 8
N_EMBED = 8
N_MSG = 3
R_CUT = 5.0
MAX_Z = 118
N_ATOM = 10000
N_EDGE = 320000
N_MOL = 100

NC, NS, L = 2, 16, 16
NW = NC * NS
NPAD = 10240
EW = N_EDGE // NW
K = 400
SW = 96
DW = 80
BN = 512

_i32 = jnp.int32
_f32 = jnp.float32


def _iota16():
    return lax.iota(_i32, L)


def _splat(c):
    return jnp.full((L,), c, _i32)


def _embed_body(z_hbm, emb_hbm, gus_hbm, h0_hbm, q0_hbm, z_v, emb_v, gus_v,
                h0_v, q0_v):
    cid = lax.axis_index("c")
    sid = lax.axis_index("s")
    wid = cid * NS + sid
    npw = NPAD // NW
    base = wid * npw
    pltpu.sync_copy(z_hbm.at[pl.ds(base, npw)], z_v)
    pltpu.sync_copy(emb_hbm, emb_v)
    pltpu.sync_copy(gus_hbm, gus_v)

    def grp(j, carry):
        pos = j * L + _iota16()
        zv = z_v[pl.ds(j * L, L)]
        for z in range(N_EMBED):
            hv = plsc.load_gather(emb_v, [zv, _splat(z)])
            plsc.store_scatter(h0_v, [pos, _splat(z)], hv)
        qv = plsc.load_gather(gus_v, [zv, _splat(0)])
        q0_v[pl.ds(j * L, L)] = qv
        return carry

    lax.fori_loop(0, npw // L, grp, 0)
    pltpu.sync_copy(h0_v, h0_hbm.at[pl.ds(base, npw)])
    pltpu.sync_copy(q0_v, q0_hbm.at[pl.ds(base, npw)])


@jax.jit
def _embed_call(z_pad, emb, gus):
    npw = NPAD // NW
    mesh = plsc.VectorSubcoreMesh(core_axis_name="c", subcore_axis_name="s")
    return pl.kernel(
        _embed_body,
        out_type=(jax.ShapeDtypeStruct((NPAD, N_EMBED), _f32),
                  jax.ShapeDtypeStruct((NPAD,), _f32)),
        mesh=mesh,
        compiler_params=pltpu.CompilerParams(needs_layout_passes=False, use_tc_tiling_on_sc=False),
        scratch_types=[
            pltpu.VMEM((npw,), _i32),
            pltpu.VMEM((MAX_Z + 1, N_EMBED), _f32),
            pltpu.VMEM((MAX_Z + 1, 1), _f32),
            pltpu.VMEM((npw, N_EMBED), _f32),
            pltpu.VMEM((npw,), _f32),
        ],
    )(z_pad, emb, gus)


def _dxyz_body(r_hbm, esrc_hbm, etgt_hbm, dxyz_hbm,
               rs_v, rt_v, bx_v, by_v, bz_v, isrc_v, itgt_v, sem):
    cid = lax.axis_index("c")
    sid = lax.axis_index("s")
    wid = cid * NS + sid
    ebase = wid * EW

    def chunk(ch, carry):
        gb = ebase + ch * K
        pltpu.sync_copy(esrc_hbm.at[pl.ds(gb, K)], isrc_v)
        pltpu.sync_copy(etgt_hbm.at[pl.ds(gb, K)], itgt_v)
        pltpu.async_copy(r_hbm.at[isrc_v], rs_v, sem).wait()
        pltpu.async_copy(r_hbm.at[itgt_v], rt_v, sem).wait()

        def grp(j, c2):
            pos = j * L + _iota16()
            for c, buf in ((0, bx_v), (1, by_v), (2, bz_v)):
                xs = plsc.load_gather(rs_v, [pos, _splat(c)])
                xt = plsc.load_gather(rt_v, [pos, _splat(c)])
                buf[pl.ds(j * L, L)] = xt - xs
            return c2

        lax.fori_loop(0, K // L, grp, 0)
        for c, buf in ((0, bx_v), (1, by_v), (2, bz_v)):
            pltpu.sync_copy(buf, dxyz_hbm.at[c, pl.ds(gb, K)])
        return carry

    lax.fori_loop(0, EW // K, chunk, 0)


@jax.jit
def _dxyz_call(r16, esrc, etgt):
    mesh = plsc.VectorSubcoreMesh(core_axis_name="c", subcore_axis_name="s")
    return pl.kernel(
        _dxyz_body,
        out_type=jax.ShapeDtypeStruct((3, N_EDGE), _f32),
        mesh=mesh,
        compiler_params=pltpu.CompilerParams(needs_layout_passes=False, use_tc_tiling_on_sc=False),
        scratch_types=[
            pltpu.VMEM((K, 16), _f32),
            pltpu.VMEM((K, 16), _f32),
            pltpu.VMEM((K,), _f32),
            pltpu.VMEM((K,), _f32),
            pltpu.VMEM((K,), _f32),
            pltpu.VMEM((K,), _i32),
            pltpu.VMEM((K,), _i32),
            pltpu.SemaphoreType.DMA,
        ],
    )(r16, esrc, etgt)


BE = 6400


def _geomtc_body(d_ref, g_ref):
    dx = d_ref[0, :]
    dy = d_ref[1, :]
    dz = d_ref[2, :]
    d2 = dx * dx + dy * dy + dz * dz
    dr = jnp.sqrt(jax.nn.relu(d2))
    drs = jnp.maximum(dr, 1e-6)
    gamma = R_CUT / N_RBF
    for r in range(N_RBF):
        mu = R_CUT * r / (N_RBF - 1)
        g_ref[r, :] = jnp.exp(-((dr - mu) ** 2) / (gamma ** 2))
    dru = [dx / drs, dy / drs, dz / drs]
    for c in range(3):
        g_ref[8 + c, :] = dru[c]
    o6 = [dru[0] * dru[0], dru[0] * dru[1], dru[0] * dru[2],
          dru[1] * dru[1], dru[1] * dru[2], dru[2] * dru[2]]
    for c in range(6):
        g_ref[11 + c, :] = o6[c]


@jax.jit
def _geomtc_call(dxyz):
    return pl.pallas_call(
        _geomtc_body, grid=(N_EDGE // BE,),
        in_specs=[pl.BlockSpec((3, BE), lambda i: (0, i))],
        out_specs=pl.BlockSpec((17, BE), lambda i: (0, i)),
        out_shape=jax.ShapeDtypeStruct((17, N_EDGE), _f32),
    )(dxyz)


def _static_body(h0_hbm, geom_hbm, esrc_hbm, etgt_hbm, outa_hbm, outb_hbm,
                 h_v, g_v, sta_v, stb_v, isrc_v, itgt_v, sem,
                 acca_sh, accb_sh):
    cid = lax.axis_index("c")
    sid = lax.axis_index("s")
    wid = cid * NS + sid
    ebase = wid * EW
    HW = SW // 2

    def zr(r, c2):
        for st in (sta_v, stb_v):
            for c in range(HW // L):
                plsc.store_scatter(st, [jnp.full((L,), r, _i32),
                                        c * L + _iota16()],
                                   jnp.zeros((L,), _f32))
        return c2

    lax.fori_loop(0, K, zr, 0)
    nzr = NPAD // NS
    for st, acc in ((sta_v, acca_sh), (stb_v, accb_sh)):
        pltpu.sync_copy(st, acc.at[pl.ds(sid * nzr, K)])
        pltpu.sync_copy(st.at[pl.ds(0, nzr - K)],
                        acc.at[pl.ds(sid * nzr + K, nzr - K)])
    plsc.subcore_barrier()

    def chunk(ch, carry):
        gb = ebase + ch * K
        pltpu.sync_copy(esrc_hbm.at[pl.ds(gb, K)], isrc_v)
        pltpu.sync_copy(etgt_hbm.at[pl.ds(gb, K)], itgt_v)
        pltpu.sync_copy(geom_hbm.at[:, pl.ds(gb, K)], g_v)
        pltpu.async_copy(h0_hbm.at[itgt_v], h_v, sem).wait()

        def grp(j, c2):
            pos = j * L + _iota16()
            sl = pl.ds(j * L, L)
            rb = [g_v[r, sl] for r in range(N_RBF)]
            hz = [plsc.load_gather(h_v, [pos, _splat(z)])
                  for z in range(N_EMBED)]
            feats = [(0, jnp.full((L,), 1.0, _f32))]
            feats += [(1 + r, rb[r]) for r in range(N_RBF)]
            feats += [(9 + z, hz[z]) for z in range(N_EMBED)]
            feats += [(17 + z * N_RBF + r, hz[z] * rb[r])
                      for z in range(N_EMBED) for r in range(N_RBF)]
            feats += [(81 + c, g_v[8 + c, sl]) for c in range(3)]
            feats += [(84 + c, g_v[11 + c, sl]) for c in range(6)]
            for gc, v in feats:
                st = sta_v if gc < HW else stb_v
                plsc.store_scatter(st, [pos, _splat(gc % HW)], v)
            return c2

        lax.fori_loop(0, K // L, grp, 0)
        pltpu.sync_copy(sta_v, acca_sh.at[isrc_v], add=True)
        pltpu.sync_copy(stb_v, accb_sh.at[isrc_v], add=True)
        return carry

    lax.fori_loop(0, EW // K, chunk, 0)
    plsc.subcore_barrier()
    nzc = NPAD // NS
    pltpu.sync_copy(acca_sh.at[pl.ds(sid * nzc, nzc)],
                    outa_hbm.at[cid, pl.ds(sid * nzc, nzc), :])
    pltpu.sync_copy(accb_sh.at[pl.ds(sid * nzc, nzc)],
                    outb_hbm.at[cid, pl.ds(sid * nzc, nzc), :])


@jax.jit
def _static_call(h0, geom, esrc, etgt):
    HW = SW // 2
    mesh = plsc.VectorSubcoreMesh(core_axis_name="c", subcore_axis_name="s")
    return pl.kernel(
        _static_body,
        out_type=(jax.ShapeDtypeStruct((NC, NPAD, HW), _f32),
                  jax.ShapeDtypeStruct((NC, NPAD, HW), _f32)),
        mesh=mesh,
        compiler_params=pltpu.CompilerParams(needs_layout_passes=False, use_tc_tiling_on_sc=False),
        scratch_types=[
            pltpu.VMEM((K, N_EMBED), _f32),
            pltpu.VMEM((17, K), _f32),
            pltpu.VMEM((K, HW), _f32),
            pltpu.VMEM((K, HW), _f32),
            pltpu.VMEM((K,), _i32),
            pltpu.VMEM((K,), _i32),
            pltpu.SemaphoreType.DMA,
            pltpu.VMEM_SHARED((NPAD, HW), _f32),
            pltpu.VMEM_SHARED((NPAD, HW), _f32),
        ],
    )(h0, geom, esrc, etgt)


def _edge_body(tab_hbm, geom_hbm, esrc_hbm, etgt_hbm, out_hbm,
               rows_v, stage_v, g_v, isrc_v, itgt_v, sem, acc_sh):
    cid = lax.axis_index("c")
    sid = lax.axis_index("s")
    wid = cid * NS + sid
    ebase = wid * EW

    def zr(r, c2):
        for c in range(DW // L):
            plsc.store_scatter(stage_v, [jnp.full((L,), r, _i32),
                                         c * L + _iota16()],
                               jnp.zeros((L,), _f32))
        return c2

    lax.fori_loop(0, K, zr, 0)
    nzr = NPAD // NS
    pltpu.sync_copy(stage_v, acc_sh.at[pl.ds(sid * nzr, K)])
    pltpu.sync_copy(stage_v.at[pl.ds(0, nzr - K)],
                    acc_sh.at[pl.ds(sid * nzr + K, nzr - K)])
    plsc.subcore_barrier()

    def chunk(ch, carry):
        gb = ebase + ch * K
        pltpu.sync_copy(esrc_hbm.at[pl.ds(gb, K)], isrc_v)
        pltpu.sync_copy(etgt_hbm.at[pl.ds(gb, K)], itgt_v)
        pltpu.sync_copy(geom_hbm.at[pl.ds(0, N_RBF), pl.ds(gb, K)], g_v)
        pltpu.async_copy(tab_hbm.at[itgt_v], rows_v, sem).wait()

        def grp(j, c2):
            pos = j * L + _iota16()
            sl = pl.ds(j * L, L)
            hz = [plsc.load_gather(rows_v, [pos, _splat(z)])
                  for z in range(N_EMBED)]
            rb = [g_v[r, sl] for r in range(N_RBF)]
            for z in range(N_EMBED):
                plsc.store_scatter(stage_v, [pos, _splat(z)], hz[z])
            for z in range(N_EMBED):
                for r in range(N_RBF):
                    plsc.store_scatter(
                        stage_v,
                        [pos, _splat(N_EMBED + z * N_RBF + r)],
                        hz[z] * rb[r])
            return c2

        lax.fori_loop(0, K // L, grp, 0)
        pltpu.sync_copy(stage_v, acc_sh.at[isrc_v], add=True)
        return carry

    lax.fori_loop(0, EW // K, chunk, 0)
    plsc.subcore_barrier()
    nzc = NPAD // NS
    pltpu.sync_copy(acc_sh.at[pl.ds(sid * nzc, nzc)],
                    out_hbm.at[cid, pl.ds(sid * nzc, nzc), :])


@jax.jit
def _edge_call(tab, geom, esrc, etgt):
    mesh = plsc.VectorSubcoreMesh(core_axis_name="c", subcore_axis_name="s")
    return pl.kernel(
        _edge_body,
        out_type=jax.ShapeDtypeStruct((NC, NPAD, DW), _f32),
        mesh=mesh,
        compiler_params=pltpu.CompilerParams(needs_layout_passes=False, use_tc_tiling_on_sc=False),
        scratch_types=[
            pltpu.VMEM((K, N_EMBED), _f32),
            pltpu.VMEM((K, DW), _f32),
            pltpu.VMEM((N_RBF, K), _f32),
            pltpu.VMEM((K,), _i32),
            pltpu.VMEM((K,), _i32),
            pltpu.SemaphoreType.DMA,
            pltpu.VMEM_SHARED((NPAD, DW), _f32),
        ],
    )(tab, geom, esrc, etgt)


def _ffn_body(h0_ref, h_ref, sa_ref, sb_ref, ta_ref, tb_ref, q_ref, d_ref,
              p_ref, w1_ref, b1_ref, w2a, w2b, w2c, w2d, w2e, b2_ref,
              w3a, w3b, w3c, w3d, w3e, b3_ref, wh_ref, bh_ref, wc_ref, bc_ref,
              wd_ref, bd_ref, wq_ref, bq_ref,
              hn_ref, qo_ref, do_ref, po_ref):
    h0 = h0_ref[...]
    h = h_ref[...]
    S = sa_ref[...] + sb_ref[...]
    T = ta_ref[...] + tb_ref[...]
    deg = S[:, 0:1]
    rbf_sum = S[:, 1:9]
    s0 = S[:, 9:17]
    T0 = S[:, 17:81]
    dru_sum = S[:, 81:84]
    o6 = S[:, 84:90]
    sh = T[:, 0:8]
    Th = T[:, 8:72]
    out0 = [h0[:, z:z + 1] * rbf_sum for z in range(N_EMBED)]
    outh = [h[:, z:z + 1] * rbf_sum for z in range(N_EMBED)]
    m = jnp.concatenate(
        [h0 * deg, s0, h * deg, sh] + out0 + [T0] + outh + [Th, rbf_sum],
        axis=1)
    h1 = jax.nn.relu(jnp.dot(m, w1_ref[...],
                             preferred_element_type=_f32) + b1_ref[...])
    w2 = (w2a, w2b, w2c, w2d, w2e)
    w3 = (w3a, w3b, w3c, w3d, w3e)
    h3 = []
    for f in range(5):
        h2f = jax.nn.relu(
            jnp.dot(h1[:, f * 256:(f + 1) * 256], w2[f][...],
                    preferred_element_type=_f32)
            + b2_ref[:, f * 128:(f + 1) * 128])
        h3f = jax.nn.relu(
            jnp.dot(h2f, w3[f][...], preferred_element_type=_f32)
            + b3_ref[:, f * 64:(f + 1) * 64])
        h3.append(h3f)
    hn_ref[...] = jnp.dot(h3[0], wh_ref[...],
                          preferred_element_type=_f32) + bh_ref[...]
    dq = jnp.dot(h3[1], wc_ref[...], preferred_element_type=_f32) + bc_ref[...]
    qo_ref[...] = q_ref[...] + dq
    sd = jnp.dot(h3[2], wd_ref[...], preferred_element_type=_f32) + bd_ref[...]
    do_ref[...] = d_ref[...] + sd * dru_sum
    sq1 = jnp.dot(h3[3], wq_ref[...], preferred_element_type=_f32) + bq_ref[...]
    sq2 = jnp.dot(h3[4], wq_ref[...], preferred_element_type=_f32) + bq_ref[...]
    o9 = jnp.concatenate(
        [o6[:, 0:3], o6[:, 1:2], o6[:, 3:5], o6[:, 2:3], o6[:, 4:6]], axis=1)
    eye9 = (lax.broadcasted_iota(_i32, (1, 9), 1) % 4 == 0).astype(_f32)
    po_ref[...] = p_ref[...] + sq1 * o9 + (sq2 * deg) * eye9


@jax.jit
def _ffn_call(h0, h, sa, sb, ta, tb, q, d, p, weights):
    grid = (NPAD // BN,)

    def nspec(c):
        return pl.BlockSpec((BN, c), lambda i: (i, 0))

    def fspec(shape):
        nd = len(shape)
        return pl.BlockSpec(shape, lambda i: (0,) * nd)

    in_specs = ([nspec(8), nspec(8), nspec(SW), nspec(SW), nspec(DW),
                 nspec(DW), nspec(1), nspec(3), nspec(9)]
                + [fspec(w.shape) for w in weights])
    out_specs = [nspec(8), nspec(1), nspec(3), nspec(9)]
    out_shape = [jax.ShapeDtypeStruct((NPAD, 8), _f32),
                 jax.ShapeDtypeStruct((NPAD, 1), _f32),
                 jax.ShapeDtypeStruct((NPAD, 3), _f32),
                 jax.ShapeDtypeStruct((NPAD, 9), _f32)]
    return pl.pallas_call(
        _ffn_body, grid=grid, in_specs=in_specs, out_specs=out_specs,
        out_shape=out_shape,
    )(h0, h, sa, sb, ta, tb, q, d, p, *weights)


def _mol_reduce_body(q_ref, ind_ref, out_ref):
    i = pl.program_id(0)

    @pl.when(i == 0)
    def _():
        out_ref[...] = jnp.zeros_like(out_ref)

    ind = ind_ref[0, 0, :]
    M = (ind[:, None] == lax.broadcasted_iota(_i32, (BN, 128), 1)).astype(_f32)
    q = q_ref[...]
    molq = jnp.sum(M * q, axis=0, keepdims=True)
    nper = jnp.sum(M, axis=0, keepdims=True)
    out_ref[...] = out_ref[...] + jnp.concatenate([molq, nper], axis=0)


def _mol_apply_body(q_ref, ind_ref, st_ref, tq_ref, out_ref):
    molq = st_ref[0:1, :]
    nper = jnp.maximum(st_ref[1:2, :], 1.0)
    corr = (tq_ref[...] - molq) / nper
    ind = ind_ref[0, 0, :]
    M = (ind[:, None] == lax.broadcasted_iota(_i32, (BN, 128), 1)).astype(_f32)
    out_ref[...] = q_ref[...] + jnp.sum(M * corr, axis=1, keepdims=True)


@jax.jit
def _mol_call(q, ind3, tq):
    grid = (NPAD // BN,)
    nspec = pl.BlockSpec((BN, 1), lambda i: (i, 0))
    ispec = pl.BlockSpec((1, 1, BN), lambda i: (i, 0, 0))
    sspec = pl.BlockSpec((2, 128), lambda i: (0, 0))
    st = pl.pallas_call(
        _mol_reduce_body, grid=grid, in_specs=[nspec, ispec],
        out_specs=sspec,
        out_shape=jax.ShapeDtypeStruct((2, 128), _f32),
    )(q, ind3)
    tspec = pl.BlockSpec((1, 128), lambda i: (0, 0))
    return pl.pallas_call(
        _mol_apply_body, grid=grid,
        in_specs=[nspec, ispec, sspec, tspec], out_specs=nspec,
        out_shape=jax.ShapeDtypeStruct((NPAD, 1), _f32),
    )(q, ind3, st, tq)


def kernel(Z, R, e_source, e_target, molecule_ind, total_charge, params):
    Z = Z.astype(_i32)
    esrc = e_source.astype(_i32)
    etgt = e_target.astype(_i32)
    z_pad = jnp.concatenate([Z, jnp.zeros((NPAD - N_ATOM,), _i32)])
    h0, q0 = _embed_call(z_pad, params["embed"], params["guess"])
    r16 = jnp.pad(R.astype(_f32), ((0, 0), (0, 13)))
    dxyz = _dxyz_call(r16, esrc, etgt)
    geom = _geomtc_call(dxyz)
    sa_, sb_ = _static_call(h0, geom, esrc, etgt)
    S = jnp.concatenate([sa_, sb_], axis=2)

    charge = q0.reshape(NPAD, 1)
    dipole = jnp.zeros((NPAD, 3), _f32)
    qpole = jnp.zeros((NPAD, 9), _f32)
    h = h0
    for i in range(N_MSG):
        T = _edge_call(h, geom, esrc, etgt)
        ps = params
        w1 = jnp.concatenate(
            [ps[n % i][0][0] for n in ("charge_update_%d", "charge_readout_%d",
                                       "dipole_update_%d", "qpole1_update_%d",
                                       "qpole2_update_%d")], axis=1)
        b1 = jnp.concatenate(
            [ps[n % i][0][1] for n in ("charge_update_%d", "charge_readout_%d",
                                       "dipole_update_%d", "qpole1_update_%d",
                                       "qpole2_update_%d")]).reshape(1, -1)
        names = ("charge_update_%d", "charge_readout_%d", "dipole_update_%d",
                 "qpole1_update_%d", "qpole2_update_%d")
        w2s = [ps[n % i][1][0] for n in names]
        b2 = jnp.concatenate([ps[n % i][1][1] for n in names]).reshape(1, -1)
        w3s = [ps[n % i][2][0] for n in names]
        b3 = jnp.concatenate([ps[n % i][2][1] for n in names]).reshape(1, -1)
        wh, bh = ps["charge_update_%d" % i][3]
        wc, bc = ps["charge_readout_%d" % i][3]
        wd, bd = ps["dipole_readout_%d" % i]
        wq, bq = ps["qpole_readout_%d" % i]
        weights = ([w1, b1] + w2s + [b2] + w3s
                   + [b3, wh, bh.reshape(1, -1), wc, bc.reshape(1, -1),
                      wd, bd.reshape(1, -1), wq, bq.reshape(1, -1)])
        h, charge, dipole, qpole = _ffn_call(
            h0, h, S[0], S[1], T[0], T[1], charge, dipole, qpole, weights)

    ind3 = jnp.concatenate(
        [molecule_ind.astype(_i32),
         jnp.full((NPAD - N_ATOM,), 127, _i32)]).reshape(NPAD // BN, 1, BN)
    tq = jnp.concatenate([total_charge.astype(_f32),
                          jnp.zeros((128 - N_MOL,), _f32)]).reshape(1, 128)
    charge = _mol_call(charge, ind3, tq)

    return (charge[:N_ATOM],
            dipole[:N_ATOM],
            qpole[:N_ATOM].reshape(N_ATOM, 3, 3))

# --- scband reference (transcript-rebuilt; emitter-appended) ---
"""Pipeline reference for scband-py-torch-atom-model-78400333021556 (READ-ONLY COPY).

The authoritative reference and input builder live on the scoring server;
editing this copy changes nothing except your own understanding.
"""

import jax, jax.numpy as jnp
import numpy as np

N_RBF = 8
N_EMBED = 8
N_MSG = 3
R_CUT = 5.0
MAX_Z = 118
N_NEURON = 128
D_MSG = 4 * N_EMBED + 4 * N_EMBED * N_RBF + N_RBF
N_ATOM = 10000
N_EDGE = 320000
N_MOL = 100


def _init_ffn(key, dims):
    ps = []
    for i in range(len(dims) - 1):
        key, k1 = jax.random.split(key)
        W = jax.random.normal(k1, (dims[i], dims[i + 1]), jnp.float32) * (1.0 / float(np.sqrt(dims[i])))
        ps.append((W, jnp.zeros((dims[i + 1],), jnp.float32)))
    return ps


def _ffn(ps, x):
    h = x
    for W, b in ps[:-1]:
        h = jax.nn.relu(h @ W + b)
    W, b = ps[-1]
    return h @ W + b, h


def _make_params(key):
    params = {}
    params['embed'] = jax.random.normal(jax.random.fold_in(key, 0), (MAX_Z + 1, N_EMBED), jnp.float32)
    params['guess'] = jax.random.normal(jax.random.fold_in(key, 1), (MAX_Z + 1, 1), jnp.float32) * 0.1
    hid = [D_MSG, 2 * N_NEURON, N_NEURON, N_NEURON // 2, N_EMBED]
    ro = [D_MSG, 2 * N_NEURON, N_NEURON, N_NEURON // 2, 1]
    for i in range(N_MSG):
        params['charge_update_%d' % i] = _init_ffn(jax.random.fold_in(key, 10 + i), hid)
        params['dipole_update_%d' % i] = _init_ffn(jax.random.fold_in(key, 20 + i), hid)
        params['qpole1_update_%d' % i] = _init_ffn(jax.random.fold_in(key, 30 + i), hid)
        params['qpole2_update_%d' % i] = _init_ffn(jax.random.fold_in(key, 40 + i), hid)
        params['charge_readout_%d' % i] = _init_ffn(jax.random.fold_in(key, 50 + i), ro)
        params['dipole_readout_%d' % i] = (jax.random.normal(jax.random.fold_in(key, 60 + i), (N_NEURON // 2, 1), jnp.float32) * 0.1, jnp.zeros((1,), jnp.float32))
        params['qpole_readout_%d' % i] = (jax.random.normal(jax.random.fold_in(key, 70 + i), (N_NEURON // 2, 1), jnp.float32) * 0.1, jnp.zeros((1,), jnp.float32))
    return params


def setup_inputs(seed: int = 0):
    key = jax.random.key(seed)
    ks = jax.random.split(key, 6)
    Z = jax.random.randint(ks[0], (N_ATOM,), 0, MAX_Z + 1)
    R = jax.random.normal(ks[1], (N_ATOM, 3), jnp.float32)
    e_source = jax.random.randint(ks[2], (N_EDGE,), 0, N_ATOM)
    e_target = jax.random.randint(ks[3], (N_EDGE,), 0, N_ATOM)
    molecule_ind = jnp.sort(jax.random.randint(ks[4], (N_ATOM,), 0, N_MOL))
    total_charge = jnp.zeros((N_MOL,), jnp.float32)
    params = _make_params(ks[5])
    return {'Z': Z, 'R': R, 'e_source': e_source, 'e_target': e_target, 'molecule_ind': molecule_ind, 'total_charge': total_charge, 'params': params}


def _forward(Z, R, e_source, e_target, molecule_ind, total_charge, params):
    N = Z.shape[0]
    dxyz = R[e_target] - R[e_source]
    dR = jnp.sqrt(jax.nn.relu(jnp.sum(dxyz ** 2, axis=-1)))
    dRs = jnp.maximum(dR, 1e-6)
    dru = dxyz / dRs[:, None]
    mus = jnp.linspace(0.0, R_CUT, N_RBF).astype(jnp.float32)
    gamma = R_CUT / N_RBF
    rbf = jnp.exp(-((dR[:, None] - mus[None, :]) ** 2) / (gamma ** 2))
    h0 = params['embed'][Z]
    h = h0
    charge = params['guess'][Z]
    dipole = jnp.zeros((N, 3), jnp.float32)
    qpole = jnp.zeros((N, 3, 3), jnp.float32)
    eye = jnp.eye(3, dtype=jnp.float32)
    for i in range(N_MSG):
        h_all = jnp.concatenate([h0[e_source], h0[e_target], h[e_source], h[e_target]], axis=-1)
        h_all_dot = jnp.einsum('ez,er->ezr', h_all, rbf).reshape(h_all.shape[0], -1)
        m_ij = jnp.concatenate([h_all, h_all_dot, rbf], axis=-1)
        m_i = jax.ops.segment_sum(m_ij, e_source, num_segments=N)
        h, _ = _ffn(params['charge_update_%d' % i], m_i)
        dq, _ = _ffn(params['charge_readout_%d' % i], m_i)
        charge = charge + dq
        _, hd = _ffn(params['dipole_update_%d' % i], m_i)
        Wd, bd = params['dipole_readout_%d' % i]
        sd = hd @ Wd + bd
        dipole = dipole + jax.ops.segment_sum(sd[e_source] * dru, e_source, num_segments=N)
        _, hq1 = _ffn(params['qpole1_update_%d' % i], m_i)
        _, hq2 = _ffn(params['qpole2_update_%d' % i], m_i)
        Wq, bq = params['qpole_readout_%d' % i]
        sq1 = hq1 @ Wq + bq
        sq2 = hq2 @ Wq + bq
        outer = dru[:, :, None] * dru[:, None, :]
        contrib = sq1[e_source][:, :, None] * outer + sq2[e_source][:, :, None] * eye[None, :, :]
        qpole = qpole + jax.ops.segment_sum(contrib, e_source, num_segments=N)
    nper = jnp.maximum(jax.ops.segment_sum(jnp.ones((N,), jnp.float32), molecule_ind, num_segments=N_MOL), 1.0)
    molq = jax.ops.segment_sum(charge[:, 0], molecule_ind, num_segments=N_MOL)
    corr = (total_charge - molq) / nper
    charge = charge + corr[molecule_ind][:, None]
    return charge, dipole, qpole


def reference(Z, R, e_source, e_target, molecule_ind, total_charge, params):
    return _forward(Z, R, e_source, e_target, molecule_ind, total_charge, params)

if __name__ == "__main__":
    import jax
    _d = setup_inputs()
    print(jax.jit(kernel)(*tuple(_d.values())))

</pallas_src>

<mosaic_0001>
#map = affine_map<(d0, d1) -> (0)>
#map1 = affine_map<(d0, d1) -> (0, 0)>
module attributes {stable_mosaic.version = 14 : i64} {
  func.func @_embed_body(%arg0: i32, %arg1: i32, %arg2: memref<10240xi32, #tpu.memory_space<hbm>>, %arg3: memref<119x8xf32, #tpu.memory_space<hbm>>, %arg4: memref<119x1xf32, #tpu.memory_space<hbm>>, %arg5: memref<10240x8xf32, #tpu.memory_space<hbm>>, %arg6: memref<10240xf32, #tpu.memory_space<hbm>>, %arg7: memref<320xi32, #tpu.memory_space<vmem>>, %arg8: memref<119x8xf32, #tpu.memory_space<vmem>>, %arg9: memref<119x1xf32, #tpu.memory_space<vmem>>, %arg10: memref<320x8xf32, #tpu.memory_space<vmem>>, %arg11: memref<320xf32, #tpu.memory_space<vmem>>) attributes {dimension_semantics = [#tpu.dimension_semantics<core_parallel>, #tpu.dimension_semantics<subcore_parallel>], iteration_bounds = array<i64: 2, 16>, scalar_prefetch = 0 : i64, scratch_operands = 5 : i64, tpu.core_type = #tpu.core_type<sc_vector_subcore>, window_params = [{transform_indices = #map}, {transform_indices = #map1}, {transform_indices = #map1}, {transform_indices = #map1}, {transform_indices = #map}]} {
    %mul3A = arith.constant 16 : i32
    %mul3A_0 = arith.muli %arg0, %mul3A : i32
    %add3A = arith.addi %mul3A_0, %arg1 : i32
    %mul3A_1 = arith.constant 320 : i32
    %mul3A_2 = arith.muli %add3A, %mul3A_1 : i32
    "tpu.region"() ({
      %run_scoped3A = tpu.sem_alloc : memref<!tpu.dma_semaphore, #tpu.memory_space<semaphore_mem>>
      %dma_start3A = tpu.memref_slice %arg2[%mul3A_2] : memref<10240xi32, #tpu.memory_space<hbm>> -> memref<320xi32, #tpu.memory_space<hbm>>
      %dma_start3A_8 = tpu.memref_slice %arg2[%mul3A_2] : memref<10240xi32, #tpu.memory_space<hbm>> -> memref<320xi32, #tpu.memory_space<hbm>>
      tpu.enqueue_dma source(%dma_start3A_8 : memref<320xi32, #tpu.memory_space<hbm>>) target(%arg7 : memref<320xi32, #tpu.memory_space<vmem>>) target_semaphore(%run_scoped3A : memref<!tpu.dma_semaphore, #tpu.memory_space<semaphore_mem>>)
      %dma_wait3A = tpu.memref_slice %arg2[%mul3A_2] : memref<10240xi32, #tpu.memory_space<hbm>> -> memref<320xi32, #tpu.memory_space<hbm>>
      %dma_wait3A_9 = tpu.memref_slice %arg2[%mul3A_2] : memref<10240xi32, #tpu.memory_space<hbm>> -> memref<320xi32, #tpu.memory_space<hbm>>
      tpu.wait_dma2 semaphore(%run_scoped3A : memref<!tpu.dma_semaphore, #tpu.memory_space<semaphore_mem>>) src(%dma_wait3A_9 : memref<320xi32, #tpu.memory_space<hbm>>) dst(%arg7 : memref<320xi32, #tpu.memory_space<vmem>>)
      tpu.yield
    }) : () -> ()
    "tpu.region"() ({
      %run_scoped3A = tpu.sem_alloc : memref<!tpu.dma_semaphore, #tpu.memory_space<semaphore_mem>>
      tpu.enqueue_dma source(%arg3 : memref<119x8xf32, #tpu.memory_space<hbm>>) target(%arg8 : memref<119x8xf32, #tpu.memory_space<vmem>>) target_semaphore(%run_scoped3A : memref<!tpu.dma_semaphore, #tpu.memory_space<semaphore_mem>>)
      tpu.wait_dma2 semaphore(%run_scoped3A : memref<!tpu.dma_semaphore, #tpu.memory_space<semaphore_mem>>) src(%arg3 : memref<119x8xf32, #tpu.memory_space<hbm>>) dst(%arg8 : memref<119x8xf32, #tpu.memory_space<vmem>>)
      tpu.yield
    }) : () -> ()
    "tpu.region"() ({
      %run_scoped3A = tpu.sem_alloc : memref<!tpu.dma_semaphore, #tpu.memory_space<semaphore_mem>>
      tpu.enqueue_dma source(%arg4 : memref<119x1xf32, #tpu.memory_space<hbm>>) target(%arg9 : memref<119x1xf32, #tpu.memory_space<vmem>>) target_semaphore(%run_scoped3A : memref<!tpu.dma_semaphore, #tpu.memory_space<semaphore_mem>>)
      tpu.wait_dma2 semaphore(%run_scoped3A : memref<!tpu.dma_semaphore, #tpu.memory_space<semaphore_mem>>) src(%arg4 : memref<119x1xf32, #tpu.memory_space<hbm>>) dst(%arg9 : memref<119x1xf32, #tpu.memory_space<vmem>>)
      tpu.yield
    }) : () -> ()
    %scan3A = arith.constant 0 : i32
    %scan3A_3 = arith.constant 0 : i32
    %scan3A_4 = arith.constant 20 : i32
    %scan3A_5 = arith.addi %scan3A_3, %scan3A_4 : i32
    %scan3A_6 = arith.constant 1 : i32
    scf.for %scan3A_8 = %scan3A_3 to %scan3A_5 step %scan3A_6  : i32 {
      %mul3A_9 = arith.constant 16 : i32
      %mul3A_10 = arith.muli %scan3A_8, %mul3A_9 : i32
      %iota3A = tpu.iota {dimensions = array<i32: 0>} : vector<16xi32>
      %add3A_11 = vector.broadcast %mul3A_10 : i32 to vector<16xi32>
      %add3A_12 = arith.addi %add3A_11, %iota3A : vector<16xi32>
      %mul3A_13 = arith.constant 16 : i32
      %mul3A_14 = arith.muli %scan3A_8, %mul3A_13 : i32
      %get3A = arith.index_cast %mul3A_14 : i32 to index
      %get3A_15 = tpu.vector_load %arg7[%get3A] {strides = array<i32>} : memref<320xi32, #tpu.memory_space<vmem>>, vector<16xi32>,
      %broadcast_in_dim3A = arith.constant 0 : i32
      %broadcast_in_dim3A_16 = vector.broadcast %broadcast_in_dim3A : i32 to vector<16xi32>
      %gather3A = tpu.vector_load_idx %arg8[%get3A_15, %broadcast_in_dim3A_16] : memref<119x8xf32, #tpu.memory_space<vmem>>[vector<16xi32>, vector<16xi32>], vector<16xf32>,
      %broadcast_in_dim3A_17 = arith.constant 0 : i32
      %broadcast_in_dim3A_18 = vector.broadcast %broadcast_in_dim3A_17 : i32 to vector<16xi32>
      tpu.vector_store_idx %arg10[%add3A_12, %broadcast_in_dim3A_18], %gather3A : memref<320x8xf32, #tpu.memory_space<vmem>>[vector<16xi32>, vector<16xi32>], vector<16xf32>,
      %broadcast_in_dim3A_19 = arith.constant 1 : i32
      %broadcast_in_dim3A_20 = vector.broadcast %broadcast_in_dim3A_19 : i32 to vector<16xi32>
      %gather3A_21 = tpu.vector_load_idx %arg8[%get3A_15, %broadcast_in_dim3A_20] : memref<119x8xf32, #tpu.memory_space<vmem>>[vector<16xi32>, vector<16xi32>], vector<16xf32>,
      %broadcast_in_dim3A_22 = arith.constant 1 : i32
      %broadcast_in_dim3A_23 = vector.broadcast %broadcast_in_dim3A_22 : i32 to vector<16xi32>
      tpu.vector_store_idx %arg10[%add3A_12, %broadcast_in_dim3A_23], %gather3A_21 : memref<320x8xf32, #tpu.memory_space<vmem>>[vector<16xi32>, vector<16xi32>], vector<16xf32>,
      %broadcast_in_dim3A_24 = arith.constant 2 : i32
      %broadcast_in_dim3A_25 = vector.broadcast %broadcast_in_dim3A_24 : i32 to vector<16xi32>
      %gather3A_26 = tpu.vector_load_idx %arg8[%get3A_15, %broadcast_in_dim3A_25] : memref<119x8xf32, #tpu.memory_space<vmem>>[vector<16xi32>, vector<16xi32>], vector<16xf32>,
      %broadcast_in_dim3A_27 = arith.constant 2 : i32
      %broadcast_in_dim3A_28 = vector.broadcast %broadcast_in_dim3A_27 : i32 to vector<16xi32>
      tpu.vector_store_idx %arg10[%add3A_12, %broadcast_in_dim3A_28], %gather3A_26 : memref<320x8xf32, #tpu.memory_space<vmem>>[vector<16xi32>, vector<16xi32>], vector<16xf32>,
      %broadcast_in_dim3A_29 = arith.constant 3 : i32
      %broadcast_in_dim3A_30 = vector.broadcast %broadcast_in_dim3A_29 : i32 to vector<16xi32>
      %gather3A_31 = tpu.vector_load_idx %arg8[%get3A_15, %broadcast_in_dim3A_30] : memref<119x8xf32, #tpu.memory_space<vmem>>[vector<16xi32>, vector<16xi32>], vector<16xf32>,
      %broadcast_in_dim3A_32 = arith.constant 3 : i32
      %broadcast_in_dim3A_33 = vector.broadcast %broadcast_in_dim3A_32 : i32 to vector<16xi32>
      tpu.vector_store_idx %arg10[%add3A_12, %broadcast_in_dim3A_33], %gather3A_31 : memref<320x8xf32, #tpu.memory_space<vmem>>[vector<16xi32>, vector<16xi32>], vector<16xf32>,
      %broadcast_in_dim3A_34 = arith.constant 4 : i32
      %broadcast_in_dim3A_35 = vector.broadcast %broadcast_in_dim3A_34 : i32 to vector<16xi32>
      %gather3A_36 = tpu.vector_load_idx %arg8[%get3A_15, %broadcast_in_dim3A_35] : memref<119x8xf32, #tpu.memory_space<vmem>>[vector<16xi32>, vector<16xi32>], vector<16xf32>,
      %broadcast_in_dim3A_37 = arith.constant 4 : i32
      %broadcast_in_dim3A_38 = vector.broadcast %broadcast_in_dim3A_37 : i32 to vector<16xi32>
      tpu.vector_store_idx %arg10[%add3A_12, %broadcast_in_dim3A_38], %gather3A_36 : memref<320x8xf32, #tpu.memory_space<vmem>>[vector<16xi32>, vector<16xi32>], vector<16xf32>,
      %broadcast_in_dim3A_39 = arith.constant 5 : i32
      %broadcast_in_dim3A_40 = vector.broadcast %broadcast_in_dim3A_39 : i32 to vector<16xi32>
      %gather3A_41 = tpu.vector_load_idx %arg8[%get3A_15, %broadcast_in_dim3A_40] : memref<119x8xf32, #tpu.memory_space<vmem>>[vector<16xi32>, vector<16xi32>], vector<16xf32>,
      %broadcast_in_dim3A_42 = arith.constant 5 : i32
      %broadcast_in_dim3A_43 = vector.broadcast %broadcast_in_dim3A_42 : i32 to vector<16xi32>
      tpu.vector_store_idx %arg10[%add3A_12, %broadcast_in_dim3A_43], %gather3A_41 : memref<320x8xf32, #tpu.memory_space<vmem>>[vector<16xi32>, vector<16xi32>], vector<16xf32>,
      %broadcast_in_dim3A_44 = arith.constant 6 : i32
      %broadcast_in_dim3A_45 = vector.broadcast %broadcast_in_dim3A_44 : i32 to vector<16xi32>
      %gather3A_46 = tpu.vector_load_idx %arg8[%get3A_15, %broadcast_in_dim3A_45] : memref<119x8xf32, #tpu.memory_space<vmem>>[vector<16xi32>, vector<16xi32>], vector<16xf32>,
      %broadcast_in_dim3A_47 = arith.constant 6 : i32
      %broadcast_in_dim3A_48 = vector.broadcast %broadcast_in_dim3A_47 : i32 to vector<16xi32>
      tpu.vector_store_idx %arg10[%add3A_12, %broadcast_in_dim3A_48], %gather3A_46 : memref<320x8xf32, #tpu.memory_space<vmem>>[vector<16xi32>, vector<16xi32>], vector<16xf32>,
      %broadcast_in_dim3A_49 = arith.constant 7 : i32
      %broadcast_in_dim3A_50 = vector.broadcast %broadcast_in_dim3A_49 : i32 to vector<16xi32>
      %gather3A_51 = tpu.vector_load_idx %arg8[%get3A_15, %broadcast_in_dim3A_50] : memref<119x8xf32, #tpu.memory_space<vmem>>[vector<16xi32>, vector<16xi32>], vector<16xf32>,
      %broadcast_in_dim3A_52 = arith.constant 7 : i32
      %broadcast_in_dim3A_53 = vector.broadcast %broadcast_in_dim3A_52 : i32 to vector<16xi32>
      tpu.vector_store_idx %arg10[%add3A_12, %broadcast_in_dim3A_53], %gather3A_51 : memref<320x8xf32, #tpu.memory_space<vmem>>[vector<16xi32>, vector<16xi32>], vector<16xf32>,
      %broadcast_in_dim3A_54 = arith.constant 0 : i32
      %broadcast_in_dim3A_55 = vector.broadcast %broadcast_in_dim3A_54 : i32 to vector<16xi32>
      %gather3A_56 = tpu.vector_load_idx %arg9[%get3A_15, %broadcast_in_dim3A_55] : memref<119x1xf32, #tpu.memory_space<vmem>>[vector<16xi32>, vector<16xi32>], vector<16xf32>,
      %mul3A_57 = arith.constant 16 : i32
      %mul3A_58 = arith.muli %scan3A_8, %mul3A_57 : i32
      %swap3A = arith.index_cast %mul3A_58 : i32 to index
      %swap3A_59 = tpu.vector_load %arg11[%swap3A] {strides = array<i32>} : memref<320xf32, #tpu.memory_space<vmem>>, vector<16xf32>,
      tpu.vector_store %arg11[%swap3A], %gather3A_56 {strides = array<i32>} : memref<320xf32, #tpu.memory_space<vmem>>, vector<16xf32>,
    }
    %scan3A_7 = arith.constant 20 : i32
    "tpu.region"() ({
      %run_scoped3A = tpu.sem_alloc : memref<!tpu.dma_semaphore, #tpu.memory_space<semaphore_mem>>
      %dma_start3A = arith.constant 0 : i32
      %dma_start3A_8 = tpu.memref_slice %arg5[%mul3A_2, %dma_start3A] : memref<10240x8xf32, #tpu.memory_space<hbm>> -> memref<320x8xf32, #tpu.memory_space<hbm>>
      %dma_start3A_9 = arith.constant 0 : i32
      %dma_start3A_10 = tpu.memref_slice %arg5[%mul3A_2, %dma_start3A_9] : memref<10240x8xf32, #tpu.memory_space<hbm>> -> memref<320x8xf32, #tpu.memory_space<hbm>>
      tpu.enqueue_dma source(%arg10 : memref<320x8xf32, #tpu.memory_space<vmem>>) target(%dma_start3A_10 : memref<320x8xf32, #tpu.memory_space<hbm>>) target_semaphore(%run_scoped3A : memref<!tpu.dma_semaphore, #tpu.memory_space<semaphore_mem>>)
      %dma_wait3A = arith.constant 0 : i32
      %dma_wait3A_11 = tpu.memref_slice %arg5[%mul3A_2, %dma_wait3A] : memref<10240x8xf32, #tpu.memory_space<hbm>> -> memref<320x8xf32, #tpu.memory_space<hbm>>
      %dma_wait3A_12 = arith.constant 0 : i32
      %dma_wait3A_13 = tpu.memref_slice %arg5[%mul3A_2, %dma_wait3A_12] : memref<10240x8xf32, #tpu.memory_space<hbm>> -> memref<320x8xf32, #tpu.memory_space<hbm>>
      tpu.wait_dma2 semaphore(%run_scoped3A : memref<!tpu.dma_semaphore, #tpu.memory_space<semaphore_mem>>) src(%arg10 : memref<320x8xf32, #tpu.memory_space<vmem>>) dst(%dma_wait3A_13 : memref<320x8xf32, #tpu.memory_space<hbm>>)
      tpu.yield
    }) : () -> ()
    "tpu.region"() ({
      %run_scoped3A = tpu.sem_alloc : memref<!tpu.dma_semaphore, #tpu.memory_space<semaphore_mem>>
      %dma_start3A = tpu.memref_slice %arg6[%mul3A_2] : memref<10240xf32, #tpu.memory_space<hbm>> -> memref<320xf32, #tpu.memory_space<hbm>>
      %dma_start3A_8 = tpu.memref_slice %arg6[%mul3A_2] : memref<10240xf32, #tpu.memory_space<hbm>> -> memref<320xf32, #tpu.memory_space<hbm>>
      tpu.enqueue_dma source(%arg11 : memref<320xf32, #tpu.memory_space<vmem>>) target(%dma_start3A_8 : memref<320xf32, #tpu.memory_space<hbm>>) target_semaphore(%run_scoped3A : memref<!tpu.dma_semaphore, #tpu.memory_space<semaphore_mem>>)
      %dma_wait3A = tpu.memref_slice %arg6[%mul3A_2] : memref<10240xf32, #tpu.memory_space<hbm>> -> memref<320xf32, #tpu.memory_space<hbm>>
      %dma_wait3A_9 = tpu.memref_slice %arg6[%mul3A_2] : memref<10240xf32, #tpu.memory_space<hbm>> -> memref<320xf32, #tpu.memory_space<hbm>>
      tpu.wait_dma2 semaphore(%run_scoped3A : memref<!tpu.dma_semaphore, #tpu.memory_space<semaphore_mem>>) src(%arg11 : memref<320xf32, #tpu.memory_space<vmem>>) dst(%dma_wait3A_9 : memref<320xf32, #tpu.memory_space<hbm>>)
      tpu.yield
    }) : () -> ()
    return
  }
}

</mosaic_0001>

<sc_bundles>
// kernel: _embed_call.3.cloned.1.call-start
scs
__scs_entry_jumppad:
0x0: {  	(pc) =	sbr.rel $0x88, $3  }
0x1: {  	(tag) =	ssettag $0x0;
	lr =	simm.s32 $0x1  }
0x2: {  	[smem:$0x3F9E] =	sst lr;
	_ =	strace $0xD0000000  }
0x3: {  	_ = 	snop  }
0x4: {  	_ = 	snop  }
0x5: {  	_ = 	snop  }
0x6: {  	_ = 	snop  }
0x7: {  	_ = 	snop  }
__scs_overlays_trampoline_lowered:
0x8: {  	[smem:$0x3FAD] =	sst s0  }
0x9: {  	[smem:$0x3FAE] =	sst s1  }
0xa: {  	[smem:$0x3FAF] =	sst s2  }
0xb: {  	[smem:$0x3FB0] =	sst s3  }
0xc: {  	[smem:$0x3FB1] =	sst s4  }
0xd: {  	[smem:$0x3FB2] =	sst s5  }
0xe: {  	[smem:$0x3FB3] =	sst s6  }
0xf: {  	[smem:$0x3FB4] =	sst s7  }
0x10: {  	[smem:$0x3FB5] =	sst s8  }
0x11: {  	[smem:$0x3FB6] =	sst s9;
	s0 =	simm.s32 @!p0 $0x0  }
0x12: {  	s1 =	sld [smem:$0x3F9C];
	s0 =	simm.s32 @p0 $0x1  }
0x13: {  	[smem:$0x3FB7] =	sst s0;
	s0 =	simm.s32 @!p1 $0x0  }
0x14: {  	s2 =	sld [smem:$0x3F9B];
	s0 =	simm.s32 @p1 $0x1  }
0x15: {  	[smem:$0x3FB8] =	sst s0;
	s0 =	simm.s32 @!p2 $0x0  }
0x16: {  	s3 =	sld [smem:$0x3FDB];
	s0 =	simm.s32 @p2 $0x1  }
0x17: {  	s4 =	simm.s32 $0x1BF5;
	[smem:$0x3FBA] =	sst s0  }
0x18: {  	s0 =	sld [smem:$0x3F9D];
	_ =	swait.ge [sflag:s4], $0x0  }
0x19: {  	s7 =	sld [smem:$0x3F9E]  }
0x1a: {  	s8 =	sadd.s32 $0xFFFFE003, lr  }
0x1b: {  	s9 =	sadd.s32 $0xFFFFFEF7, lr;
	s5 =	simm.s32 $0xFFFFFFFF;
	p2 =	slt.u32 s8, $0xFFFFF086  }
0x1c: {  	p1 =	slt.u32 s9, $0xF7A;
	s5 =	simm.s32 @!p2 $0x0  }
0x1d: {  	s5 =	simm.s32 @p1 $0x1;
	p0 =	seq.s32 s7, s2  }
0x1e: {  	s7 =	smul.u32 @!p0 $0xF7A, s2;
	p2 =	seq.s32 @!p0 s5, $0x0  }
0x1f: {  	s9 =	smul.u32 $0xF7A, s1;
	s8 =	simm.s32 @!p0 $0x1BF5;
	p2 =	por !p2, p0  }
0x20: {  	[sflag:s8] =	ssyncset.s32 @!p0 $0xFFFFF086;
	s6 =	sadd.s32 @!p0 s3, s7;
	s7 =	simm.s32 @!p0 $0x108  }
0x21: {  	s3 =	sadd.s32 s3, s9;
	s6 =	sadd.s32 @!p0 $0x88, s6;
	s7 =	simm.s32 @p2 $0x1082  }
0x22: {  	[simem:s7], [sflag:s8] =	dma.local @!p0 [hbm:s6], $0xF7A  }
0x23: {  	s9 =	sor.u32 $0xD0000000, s2;
	s6 =	simm.s32 $0x108;
	_ =	swait.ge @!p0 [sflag:s8], $0x0  }
0x24: {  	s3 =	sadd.s32 $0x88, s3;
	s6 =	simm.s32 @!p1 $0x1082;
	[sflag:s4] =	ssyncset.s32 $0xFFFFF086  }
0x25: {  	[simem:s6], [sflag:s4] =	dma.local [hbm:s3], $0xF7A  }
0x26: {  	[smem:$0x3F9E] =	sst s1;
	(tag) =	ssettag s2;
	_ =	strace s9  }
0x27: {  	s1 =	sld [smem:$0x3FAE]  }
0x28: {  	s2 =	sld [smem:$0x3FAF]  }
0x29: {  	s4 =	sld [smem:$0x3FB1]  }
0x2a: {  	p0 =	seq.s32 s5, $0x0;
	s5 =	sld [smem:$0x3FB2]  }
0x2b: {  	s6 =	sld [smem:$0x3FB3]  }
0x2c: {  	s7 =	sld [smem:$0x3FB4]  }
0x2d: {  	s3 =	simm.s32 $0x108;
	s8 =	sld [smem:$0x3FB5]  }
0x2e: {  	s3 =	simm.s32 @!p0 $0x1082;
	s9 =	sld [smem:$0x3FB6]  }
0x2f: {  	lr =	sadd.s32 s0, s3;
	s0 =	sld [smem:$0x3FAD]  }
0x30: {  	s3 =	sld [smem:$0x3FB0]  }
0x31: {  	[smem:$0x3FB9] =	sst s10  }
0x32: {  	s10 =	sld [smem:$0x3FB7];
	_ =	sdelay $0x3  }
0x33: {  	p0 =	seq.s32 s10, $0x1;
	s10 =	sld [smem:$0x3FB9];
	_ =	sdelay $0x3  }
0x34: {  	[smem:$0x3FB9] =	sst s10  }
0x35: {  	s10 =	sld [smem:$0x3FB8];
	_ =	sdelay $0x3  }
0x36: {  	p1 =	seq.s32 s10, $0x1;
	s10 =	sld [smem:$0x3FB9];
	_ =	sdelay $0x3  }
0x37: {  	[smem:$0x3FB9] =	sst s10  }
0x38: {  	s10 =	sld [smem:$0x3FBA]  }
0x39: {  	_ = 	snop;
	(pc) =	sbr.ind lr, $3  }
0x3a: {  	_ = 	snop  }
0x3b: {  	_ = 	snop  }
0x3c: {  	p2 =	seq.s32 s10, $0x1;
	s10 =	sld [smem:$0x3FB9]  }
0x3d: {  	_ =	shalt  }
0x3e: {  	_ =	shalt  }
0x3f: {  	_ =	shalt  }
0x40: {  	_ =	shalt  }
0x41: {  	_ =	shalt  }
0x42: {  	_ =	shalt  }
0x43: {  	_ =	shalt  }
0x44: {  	_ =	shalt  }
0x45: {  	_ =	shalt  }
0x46: {  	_ =	shalt  }
0x47: {  	_ =	shalt  }
0x48: {  	_ =	shalt  }
0x49: {  	_ =	shalt  }
0x4a: {  	_ =	shalt  }
0x4b: {  	_ =	shalt  }
0x4c: {  	_ =	shalt  }
0x4d: {  	_ =	shalt  }
0x4e: {  	_ =	shalt  }
0x4f: {  	_ =	shalt  }
0x50: {  	_ =	shalt  }
0x51: {  	_ =	shalt  }
0x52: {  	_ =	shalt  }
0x53: {  	_ =	shalt  }
0x54: {  	_ =	shalt  }
0x55: {  	_ =	shalt  }
0x56: {  	_ =	shalt  }
0x57: {  	_ =	shalt  }
0x58: {  	_ =	shalt  }
0x59: {  	_ =	shalt  }
0x5a: {  	_ =	shalt  }
0x5b: {  	_ =	shalt  }
0x5c: {  	_ =	shalt  }
0x5d: {  	_ =	shalt  }
0x5e: {  	_ =	shalt  }
0x5f: {  	_ =	shalt  }
0x60: {  	_ =	shalt  }
0x61: {  	_ =	shalt  }
0x62: {  	_ =	shalt  }
0x63: {  	_ =	shalt  }
0x64: {  	_ =	shalt  }
0x65: {  	_ =	shalt  }
0x66: {  	_ =	shalt  }
0x67: {  	_ =	shalt  }
0x68: {  	_ =	shalt  }
0x69: {  	_ =	shalt  }
0x6a: {  	_ =	shalt  }
0x6b: {  	_ =	shalt  }
0x6c: {  	_ =	shalt  }
0x6d: {  	_ =	shalt  }
0x6e: {  	_ =	shalt  }
0x6f: {  	_ =	shalt  }
0x70: {  	_ =	shalt  }
0x71: {  	_ =	shalt  }
0x72: {  	_ =	shalt  }
0x73: {  	_ =	shalt  }
0x74: {  	_ =	shalt  }
0x75: {  	_ =	shalt  }
0x76: {  	_ =	shalt  }
0x77: {  	_ =	shalt  }
0x78: {  	_ =	shalt  }
0x79: {  	_ =	shalt  }
0x7a: {  	_ =	shalt  }
0x7b: {  	_ =	shalt  }
0x7c: {  	_ =	shalt  }
0x7d: {  	_ =	shalt  }
0x7e: {  	_ =	shalt  }
0x7f: {  	_ =	shalt  }
0x80: {  	_ =	shalt  }
0x81: {  	_ =	shalt  }
0x82: {  	_ =	shalt  }
0x83: {  	_ =	shalt  }
0x84: {  	_ =	shalt  }
0x85: {  	_ =	shalt  }
0x86: {  	_ =	shalt  }
0x87: {  	_ =	shalt  }
.Lfunc_end0:
.L_simem_size_0:
called_computation_lowered:
.L_overlay_start_0:
0x88: {  	s2 =	sld [smem:$0x3FD9]  }
0x89: {  	s3 =	sld [smem:$0x3FFE];
	_ =	sdelay $0x1  }
0x8a: {  	s1 =	srdreg.scid  }
0x8b: {  	s0 =	sand.u32 $0x1, s1  }
0x8c: {  	s14 =	sshll.u32 s0, $0xA;
	s2 =	sadd.s32 s3, s2  }
0x8d: {  	s2 =	sadd.s32 s2, s14  }
0x8e: {  	[smem:$0x3FC5] =	sst s2  }
0x8f: {  	_ = 	snop  }
0x90: {  	s2 =	sld [smem:$0x3FD0];
	_ =	sdelay $0x2  }
0x91: {  	s4 =	simm.s32 $0xA;
	s5 =	simm.s32 $0x10;
	s15 =	sld [smem:$0x3FC9]  }
0x92: {  	[smem:s5], [sflag:s4] =	dma.local [hbm:s2], $0x1  }
0x93: {  	_ =	swait.eq [sflag:s4], $0x1  }
0x94: {  	[sflag:s4] =	ssyncset.done $0x0  }
0x95: {  	s16 =	sld [smem:$0x10];
	[sflag:s4] =	ssyncadd.s32 $0xFFFFFFFF  }
0x96: {  	s17 =	sld [smem:$0x11];
	(tm) =	ssettm $0x1  }
0x97: {  	s18 =	sld [smem:$0x3FFB];
	_ =	sdelay $0x3  }
0x98: {  	_ =	strace s18  }
0x99: {  	s5 =	sld [smem:$0x3FFC];
	_ =	sdelay $0x3  }
0x9a: {  	_ =	strace s5  }
0x9b: {  	s5 =	sld [smem:$0x3FFD];
	_ =	sdelay $0x3  }
0x9c: {  	_ =	strace s5  }
0x9d: {  	_ =	strace $0x8FFFFFFF  }
0x9e: {  	s19 =	sld [smem:$0x3FDB];
	_ =	sdelay $0x1  }
0x9f: {  	s6 =	simm.s32 $_scs_section_size  }
0xa0: {  	s7 =	simm.s32 $_size__tile_overlayer_lowered;
	s8 =	simm.s32 $_tile_overlayer_lowered  }
0xa1: {  	s22 =	simm.s32 $0x1BFF;
	s21 =	sshll.u32 s8, $0x1;
	s5 =	sadd.s32 s6, s19  }
0xa2: {  	s9 =	simm.s32 $0x0;
	s20 =	sshll.u32 s7, $0x1;
	s7 =	sadd.s32 s21, s5  }
0xa3: {  	[timem:s9], [sflag:s22] =	dma.local [hbm:s7], s20  }
0xa4: {  	_ =	swait.ge [sflag:s22], s20  }
0xa5: {  	s6 =	ssub.s32 $0x0, s20;
	[sflag:s22] =	ssyncset.done $0x0  }
0xa6: {  	[sflag:s22] =	ssyncadd.s32 s6;
	_ =	sdelay $0x1  }
0xa7: {  	s23 =	simm.s32 $0x1B8B  }
0xa8: {  	_ =	swait.ge [sflag:s23], $0x1  }
0xa9: {  	[sflag:s23] =	ssyncset.done $0x0  }
0xaa: {  	s25 =	simm.s32 $0x1B8E;
	s24 =	sld [smem:$0x3FFE];
	[sflag:s23] =	ssyncadd.s32 $0xFFFFFFFF  }
0xab: {  	s26 =	simm.s32 $execute0_lowered;
	[smem:$0x3FD2] =	sst s25  }
0xac: {  	s7 =	sshll.u32 s26, $0x1;
	_ =	strace $0x80000046;
	[dreg:$0x1] =	wrdreg $0xFFFFFFFF  }
0xad: {  	s28 =	simm.s32 $_size_execute0_lowered;
	s5 =	sadd.s32 s5, s7;
	[dreg:$0x0] =	wrdreg $0x0  }
0xae: {  	s7 =	sshll.u32 s28, $0x1;
	[dreg:$0x2] =	wrdreg s5  }
0xaf: {  	[dreg:$0x3] =	wrdreg s7  }
0xb0: {  	[dreg:$0x4] =	wrdreg $0xC0  }
0xb1: {  	_ =	task [dreg:s9], $0x5FFFF  }
0xb2: {  	[dreg:$0x1] =	wrdreg $0xFFFFFFFF  }
0xb3: {  	[dreg:$0x0] =	wrdreg $0x60  }
0xb4: {  	[dreg:$0x2] =	wrdreg s15  }
0xb5: {  	[dreg:$0x3] =	wrdreg s24  }
0xb6: {  	[dreg:$0x4] =	wrdreg s16  }
0xb7: {  	[dreg:$0x5] =	wrdreg s17  }
0xb8: {  	[dreg:$0x6] =	wrdreg $0x9  }
0xb9: {  	_ =	task.clear_ibuf [dreg:s9], $0x7FFFF;
	_ =	strace $0x90000046  }
0xba: {  	s29 =	simm.s32 $0x9;
	_ =	strace $0x80000048  }
0xbb: {  	_ =	swait.ge [sflag:s29], $0x1  }
0xbc: {  	[sflag:s29] =	ssyncadd.s32 $0xFFFFFFFF  }
0xbd: {  	_ =	strace $0x90000048  }
0xbe: {  	_ =	sfence  }
0xbf: {  	s30 =	sld [smem:$0x0];
	_ =	sdelay $0x2  }
0xc0: {  	s31 =	sshll.u32 s1, $0xD;
	s1 =	sshrl.u32 s1, $0x2  }
0xc1: {  	s3 =	sand.u32 $0x4000, s31;
	s1 =	sadd.s32 s1, s30  }
0xc2: {  	s0 =	sor.u32 s3, s0;
	s1 =	sshll.u32 s1, $0x11  }
0xc3: {  	s0 =	sor.u32 s1, s0  }
0xc4: {  	s0 =	sadd.s32 $0x8F2B, s0  }
0xc5: {  	[sflag:s0] =	ssyncadd.remote.s32 $0x1  }
0xc6: {  	_ =	sfence.sel $0xFFFF  }
0xc7: {  	[dreg:$0x0] =	wrdreg $0xFFFFFFFF;
	(pc) =	sbr.abs _section_cstart, $3  }
0xc8: {  	[dreg:$0x1] =	wrdreg $0xFFFFFFFF  }
0xc9: {  	_ =	task.clear_ibuf [dreg:s9], $0x2FFFF;
	_ =	strace $0x9FFFFFFF  }
0xca: {  	(tm) =	ssettm $0x7FFFFFFF  }
0xcb: {  	_ =	shalt  }
tec
execute0_lowered:
.L_overlay_start_1:
0x0: {  	(tag) =	ssettag $0x1  }
0x1: {  	s5 =	rddreg [dreg:$0x0]  }
0x2: {  	s4 =	rddreg [dreg:$0x1]  }
0x3: {  	s6 =	rddreg [dreg:$0x2]  }
0x4: {  	s7 =	rddreg [dreg:$0x3]  }
0x5: {  	s1 =	srdreg.scid;
	s0 =	rddreg [dreg:$0x4]  }
0x6: {  	s2 =	simm.s32 $0x0;
	s12 =	simm.s32 $0x8B0;
	s3 =	sand.u32 $0x1, s1  }
0x7: {  	s13 =	simm.s32 $0x12B0;
	s1 =	stileid.u32;
	s8 =	sshll.u32 s3, $0x4  }
0x8: {  	s14 =	simm.s32 $0x0;
	[smem:$0x7FF] =	sst s2;
	s8 =	sor.u32 s1, s8  }
0x9: {  	_ =	strace $0x80000047;
	s9 =	ssub.s32 $0x2, s3;
	s10 =	smul.u32 $0x28, s8  }
0xa: {  	s3 =	sadd.s32 $0x800, s4;
	s11 =	sshrl.u32 s9, $0x1;
	s8 =	smul.u32 $0x140, s8  }
0xb: {  	s4 =	sadd.s32 $0xA00, s4;
	s9 =	ssub.s32 s9, s11;
	s11 =	simm.s32 $0x4F8  }
0xc: {  	v0 =	vlaneseq.u32;
	s5 =	sadd.s32 s5, s10;
	s6 =	sadd.s32 s6, s8;
	s7 =	sadd.s32 s7, s10  }
0xd: {  	v0 =	vmul.u32 $0x8, v0;
	s8 =	smax.u32 s9, $0x1;
	s9 =	simm.s32 $0x1;
	s10 =	simm.s32 $0x140  }
.LBB2_1:
0xe: {  	[tilespmem:s2], [sflag:$0x1] =	stream.linear.gather [hbm4b:s5+s2], $0x140, $0x38;
	[tilespmem:$0x13F0] =	vst v63  }
0xf: {  	_ =	swait.ge [sflag:s9], $0x140  }
0x10: {  	[sflag:s9] =	ssyncset.done $0x0  }
0x11: {  	[sflag:s9] =	ssyncadd.s32 $0xFFFFFEC0  }
0x12: {  	[tilespmem:s10], [sflag:$0x1] =	stream.linear.gather [hbm4b:s3+s2], $0x3B8, $0x38;
	[tilespmem:$0x13F0] =	vst v63  }
0x13: {  	_ =	swait.ge [sflag:s9], $0x3B8  }
0x14: {  	[sflag:s9] =	ssyncset.done $0x0  }
0x15: {  	[sflag:s9] =	ssyncadd.s32 $0xFFFFFC48  }
0x16: {  	[tilespmem:s11], [sflag:$0x1] =	stream.linear.gather [hbm4b:s4+s2], $0x3B8, $0x38;
	[tilespmem:$0x13F0] =	vst v63  }
0x17: {  	_ =	swait.ge [sflag:s9], $0x3B8  }
0x18: {  	[sflag:s9] =	ssyncset.done $0x0  }
0x19: {  	[sflag:s9] =	ssyncadd.s32 $0xFFFFFC48  }
0x1a: {  	v1 =	vld [tilespmem:s2+$0x0];
	_ =	sdelay $0x4  }
0x1b: {  	v1 =	vshll.u32 v1, $0x3;
	_ =	sdelay $0x2  }
0x1c: {  	v2 =	vmov s2  }
0x1d: {  	v2 =	vshll.u32 v2, $0x3  }
0x1e: {  	v2 =	vor.u32 v0, v2;
	v3 =	vld.idx.msk [tilespmem:v1+s10+$0x0], $0xffff  }
0x1f: {  	v4 =	vor.u32 $0x1, v1;
	_ =	sdelay $0x3  }
0x20: {  	[tilespmem:v2+s12+$0x0] =	vst.idx.msk $0xffff, v3  }
0x21: {  	v53 =	vor.u32 $0x1, v2;
	v3 =	vld.idx.msk [tilespmem:v4+s10+$0x0], $0xffff  }
0x22: {  	v5 =	vor.u32 $0x2, v1;
	_ =	sdelay $0x3  }
0x23: {  	[tilespmem:v53+s12+$0x0] =	vst.idx.msk $0xffff, v3  }
0x24: {  	v54 =	vor.u32 $0x2, v2;
	v3 =	vld.idx.msk [tilespmem:v5+s10+$0x0], $0xffff  }
0x25: {  	v55 =	vor.u32 $0x3, v1;
	_ =	sdelay $0x3  }
0x26: {  	[tilespmem:v54+s12+$0x0] =	vst.idx.msk $0xffff, v3  }
0x27: {  	v56 =	vor.u32 $0x3, v2;
	v3 =	vld.idx.msk [tilespmem:v55+s10+$0x0], $0xffff  }
0x28: {  	v57 =	vor.u32 $0x4, v1;
	_ =	sdelay $0x3  }
0x29: {  	[tilespmem:v56+s12+$0x0] =	vst.idx.msk $0xffff, v3  }
0x2a: {  	v58 =	vor.u32 $0x4, v2;
	v3 =	vld.idx.msk [tilespmem:v57+s10+$0x0], $0xffff  }
0x2b: {  	v59 =	vor.u32 $0x5, v1;
	_ =	sdelay $0x3  }
0x2c: {  	[tilespmem:v58+s12+$0x0] =	vst.idx.msk $0xffff, v3  }
0x2d: {  	v60 =	vor.u32 $0x5, v2;
	v3 =	vld.idx.msk [tilespmem:v59+s10+$0x0], $0xffff  }
0x2e: {  	v61 =	vor.u32 $0x6, v1;
	_ =	sdelay $0x3  }
0x2f: {  	[tilespmem:v60+s12+$0x0] =	vst.idx.msk $0xffff, v3  }
0x30: {  	v62 =	vor.u32 $0x6, v2;
	v3 =	vld.idx.msk [tilespmem:v61+s10+$0x0], $0xffff  }
0x31: {  	v63 =	vor.u32 $0x7, v1;
	_ =	sdelay $0x3  }
0x32: {  	[tilespmem:v62+s12+$0x0] =	vst.idx.msk $0xffff, v3  }
0x33: {  	v2 =	vor.u32 $0x7, v2;
	v3 =	vld.idx.msk [tilespmem:v63+s10+$0x0], $0xffff;
	_ =	sdelay $0x4  }
0x34: {  	[tilespmem:v2+s12+$0x0] =	vst.idx.msk $0xffff, v3  }
0x35: {  	s15 =	simm.s32 $0x10;
	s16 =	simm.s32 $0x12B0;
	s17 =	simm.s32 $0x0;
	v1 =	vld.idx.msk [tilespmem:v1+s11+$0x0], $0xffff  }
.LBB2_2:
0x36: {  	_ =	sdelay $0x3  }
0x37: {  	p0 =	sne.s32 s15, $0x130;
	s17 =	sadd.s32 $0x10, s17;
	[tilespmem:s16+$0x0] =	vst v1;
	s16 =	sadd.s32 $0x10, s16  }
0x38: {  	s18 =	smov.u32 s15;
	s15 =	sadd.s32 $0x10, s15;
	v1 =	vld [tilespmem:s17+$0x0];
	_ =	sdelay $0x4  }
0x39: {  	v1 =	vshll.u32 v1, $0x3;
	_ =	sdelay $0x3  }
0x3a: {  	v2 =	vmov s18  }
0x3b: {  	v2 =	vshll.u32 v2, $0x3;
	v3 =	vld.idx.msk [tilespmem:v1+s10+$0x0], $0xffff  }
0x3c: {  	v2 =	vor.u32 v0, v2  }
0x3d: {  	v4 =	vor.u32 $0x1, v1;
	_ =	sdelay $0x3  }
0x3e: {  	[tilespmem:v2+s12+$0x0] =	vst.idx.msk $0xffff, v3  }
0x3f: {  	v3 =	vld.idx.msk [tilespmem:v4+s10+$0x0], $0xffff  }
0x40: {  	v4 =	vor.u32 $0x1, v2  }
0x41: {  	v5 =	vor.u32 $0x2, v1;
	_ =	sdelay $0x3  }
0x42: {  	[tilespmem:v4+s12+$0x0] =	vst.idx.msk $0xffff, v3  }
0x43: {  	v3 =	vld.idx.msk [tilespmem:v5+s10+$0x0], $0xffff  }
0x44: {  	v4 =	vor.u32 $0x2, v2  }
0x45: {  	v5 =	vor.u32 $0x3, v1;
	_ =	sdelay $0x3  }
0x46: {  	[tilespmem:v4+s12+$0x0] =	vst.idx.msk $0xffff, v3  }
0x47: {  	v3 =	vld.idx.msk [tilespmem:v5+s10+$0x0], $0xffff  }
0x48: {  	v4 =	vor.u32 $0x3, v2  }
0x49: {  	v5 =	vor.u32 $0x4, v1;
	_ =	sdelay $0x3  }
0x4a: {  	[tilespmem:v4+s12+$0x0] =	vst.idx.msk $0xffff, v3  }
0x4b: {  	v3 =	vld.idx.msk [tilespmem:v5+s10+$0x0], $0xffff  }
0x4c: {  	v4 =	vor.u32 $0x4, v2  }
0x4d: {  	v5 =	vor.u32 $0x5, v1;
	_ =	sdelay $0x3  }
0x4e: {  	[tilespmem:v4+s12+$0x0] =	vst.idx.msk $0xffff, v3  }
0x4f: {  	v3 =	vld.idx.msk [tilespmem:v5+s10+$0x0], $0xffff  }
0x50: {  	v4 =	vor.u32 $0x5, v2  }
0x51: {  	v5 =	vor.u32 $0x6, v1;
	_ =	sdelay $0x3  }
0x52: {  	[tilespmem:v4+s12+$0x0] =	vst.idx.msk $0xffff, v3  }
0x53: {  	v3 =	vld.idx.msk [tilespmem:v5+s10+$0x0], $0xffff  }
0x54: {  	v4 =	vor.u32 $0x6, v2  }
0x55: {  	v5 =	vor.u32 $0x7, v1;
	_ =	sdelay $0x3  }
0x56: {  	[tilespmem:v4+s12+$0x0] =	vst.idx.msk $0xffff, v3  }
0x57: {  	v3 =	vld.idx.msk [tilespmem:v5+s10+$0x0], $0xffff  }
0x58: {  	v2 =	vor.u32 $0x7, v2;
	_ =	sdelay $0x1  }
.Ltmp0:
0x59: {  	(pc) =	sbr.rel @p0 .LBB2_2-.Ltmp0, $3  }
0x5a: {  	_ =	sdelay $0x1  }
0x5b: {  	[tilespmem:v2+s12+$0x0] =	vst.idx.msk $0xffff, v3  }
0x5c: {  	v1 =	vld.idx.msk [tilespmem:v1+s11+$0x0], $0xffff  }
0x5d: {  	_ =	sdelay $0x3  }
0x5e: {  	[tilespmem:s16+$0x0] =	vst v1  }
0x5f: {  	[hbm4b:s6+s2] =	stream.linear.scatter [tilespmem:s12], [sflag:$0x1], $0xA00, $0x38;
	[tilespmem:$0x13F0] =	vst v63  }
0x60: {  	s14 =	sadd.s32 $0x1, s14;
	_ =	swait.ge [sflag:s9], $0xA00  }
0x61: {  	p0 =	sne.s32 s14, s8;
	[sflag:s9] =	ssyncset.done $0x0  }
.Ltmp1:
0x62: {  	[sflag:s9] =	ssyncadd.s32 $0xFFFFF600;
	(pc) =	sbr.rel @p0 .LBB2_1-.Ltmp1, $4  }
0x63: {  	[hbm4b:s7+s2] =	stream.linear.scatter [tilespmem:s13], [sflag:$0x1], $0x140, $0x38;
	[tilespmem:$0x13F0] =	vst v63  }
0x64: {  	_ =	swait.ge [sflag:s9], $0x140  }
0x65: {  	[sflag:s9] =	ssyncset.done $0x0  }
0x66: {  	[sflag:s9] =	ssyncadd.s32 $0xFFFFFEC0  }
0x67: {  	_ =	sfence.sel $0x180000  }
0x68: {  	[bflag:$0x0] =	sbarrier.arrive $0xFFFF  }
0x69: {  	p0 =	sne.s32 s1, $0x0;
	_ =	strace $0x90000047  }
0x6a: {  	s0 =	sadd.s32 @!p0 $0x100000, s0;
	[bflag:$0x2] =	sbarrier.arrive $0xFFFF  }
0x6b: {  	[sflag:s0] =	ssyncadd.tile.s32 @!p0 $0x1;
	_ =	shalt  }
.Lfunc_end2:
_tile_overlayer_lowered:
.L_overlay_start_2:
0x6c: {  	(tag) =	ssettag $0x2  }
0x6d: {  	s0 =	rddreg [dreg:$0x0];
	s2 =	stileid.u32  }
0x6e: {  	s1 =	rddreg [dreg:$0x1];
	p0 =	sne.s32 s2, $0x0  }
0x6f: {  	s3 =	rddreg [dreg:$0x2];
	[bflag:$0x3] =	sbarrier.arrive $0xFFFF;
	s2 =	simm.s32 @!p0 $0x1C01  }
0x70: {  	[timem:s3], [sflag:s2] =	dma.local @!p0 [hbm:s0], s1  }
0x71: {  	s0 =	simm.s32 @!p0 $0x1  }
0x72: {  	_ =	swait.ge @!p0 [sflag:s0], s1  }
0x73: {  	s1 =	ssub.s32 @!p0 $0x0, s1;
	[sflag:s0] =	ssyncset.done @!p0 $0x0  }
0x74: {  	[sflag:s0] =	ssyncadd.s32 @!p0 s1  }
0x75: {  	[bflag:$0x3] =	sbarrier.arrive $0xFFFF  }
0x76: {  	_ =	shalt  }

</sc_bundles>
